<compile_context>
chip_gen: v7x
topology: tpu7x:2x2x1
jax: 0.10.2.dev20260603
libtpu: 0.0.44.dev20260713+nightly
codegen_flags: <defaults>
</compile_context>

<pallas_src>
import functools
import jax
import jax.numpy as jnp
from jax import lax
from jax.experimental import pallas as pl
from jax.experimental.pallas import tpu as pltpu
from jax.experimental.pallas import tpu_sc as plsc

D = 320
N_CAT, N_TYPE, N_VAR, N_SPA = 20, 200, 800, 20
TOTAL = N_CAT + N_TYPE + N_VAR + N_SPA
W_CAT, W_TYPE, W_VAR, W_SPA = N_CAT * D, N_TYPE * D, N_VAR * D, N_SPA * D
NW = 32
WORDS_PER_W = (W_CAT + W_TYPE + W_VAR + W_SPA) // NW

_mesh = plsc.VectorSubcoreMesh(core_axis_name="c", subcore_axis_name="s")


@functools.partial(
    pl.kernel,
    mesh=_mesh,
    out_type=jax.ShapeDtypeStruct((TOTAL * D,), jnp.float32),
    scratch_types=[
        pltpu.VMEM((WORDS_PER_W,), jnp.float32),
        pltpu.SemaphoreType.DMA,
        pltpu.SemaphoreType.DMA,
    ],
)
def _flatten_sc(cat, typ, var, spa, out, buf, sem_in, sem_out):
    wid = lax.axis_index("s") * 2 + lax.axis_index("c")
    plan = []
    voff = 0
    for src, base, n in (
        (cat, 0, W_CAT),
        (typ, W_CAT, W_TYPE),
        (var, W_CAT + W_TYPE, W_VAR),
        (spa, W_CAT + W_TYPE + W_VAR, W_SPA),
    ):
        cw = n // NW
        plan.append((src, base, cw, voff))
        voff += cw
    ins = [
        pltpu.make_async_copy(
            src.at[pl.ds(wid * cw, cw)], buf.at[pl.ds(vo, cw)], sem_in
        )
        for src, base, cw, vo in plan
    ]
    outs = [
        pltpu.make_async_copy(
            buf.at[pl.ds(vo, cw)], out.at[pl.ds(base + wid * cw, cw)], sem_out
        )
        for src, base, cw, vo in plan
    ]
    for c in ins:
        c.start()
    for c in ins:
        c.wait()
    for c in outs:
        c.start()
    for c in outs:
        c.wait()


def kernel(category_codes, type_codes, variant_codes, spatial_codes):
    flat = _flatten_sc(
        category_codes.reshape(-1),
        type_codes.reshape(-1),
        variant_codes.reshape(-1),
        spatial_codes.reshape(-1),
    )
    return flat.reshape(TOTAL, D)

# --- scband reference (transcript-rebuilt; emitter-appended) ---
"""Pipeline reference for scband-hierarchical-codebook-90752658964799 (READ-ONLY COPY).

The authoritative reference and input builder live on the scoring server;
editing this copy changes nothing except your own understanding.
"""

import jax, jax.numpy as jnp
import numpy as np

# GFAv482Config defaults
N_CATEGORY = 20
N_TYPE_PER_CAT = 10
N_VARIANT_PER_TYPE = 4
N_SPATIAL = 20
D = 320
# total codes = 20 + 200 + 800 + 20 = 1040


def setup_inputs(seed: int = 0) -> dict:
    key = jax.random.key(seed)
    k1, k2, k3, k4 = jax.random.split(key, 4)
    category_codes = jax.random.normal(k1, (N_CATEGORY, D), dtype=jnp.float32) * 0.02
    type_codes = jax.random.normal(k2, (N_CATEGORY, N_TYPE_PER_CAT, D), dtype=jnp.float32) * 0.02
    variant_codes = jax.random.normal(k3, (N_CATEGORY, N_TYPE_PER_CAT, N_VARIANT_PER_TYPE, D), dtype=jnp.float32) * 0.02
    spatial_codes = jax.random.normal(k4, (N_SPATIAL, D), dtype=jnp.float32) * 0.02
    return {
        "category_codes": category_codes,
        "type_codes": type_codes,
        "variant_codes": variant_codes,
        "spatial_codes": spatial_codes,
    }


def reference(category_codes, type_codes, variant_codes, spatial_codes):
    # Faithful translation of HierarchicalCodebook.get_flat_codes():
    # concatenate all code levels into a single flat [total_codes, d] tensor.
    codes = [
        category_codes,
        type_codes.reshape(-1, D),
        variant_codes.reshape(-1, D),
        spatial_codes,
    ]
    return jnp.concatenate(codes, axis=0)

if __name__ == "__main__":
    import jax
    _d = setup_inputs()
    print(jax.jit(kernel)(*tuple(_d.values())))

</pallas_src>

<mosaic_0001>
#map = affine_map<(d0, d1) -> (0)>
module attributes {stable_mosaic.version = 14 : i64} {
  func.func @_flatten_sc(%arg0: i32, %arg1: i32, %arg2: memref<6400xf32, #tpu.memory_space<hbm>>, %arg3: memref<64000xf32, #tpu.memory_space<hbm>>, %arg4: memref<256000xf32, #tpu.memory_space<hbm>>, %arg5: memref<6400xf32, #tpu.memory_space<hbm>>, %arg6: memref<332800xf32, #tpu.memory_space<hbm>>, %arg7: memref<10400xf32, #tpu.memory_space<vmem>>, %arg8: memref<!tpu.dma_semaphore, #tpu.memory_space<semaphore_mem>>, %arg9: memref<!tpu.dma_semaphore, #tpu.memory_space<semaphore_mem>>) attributes {dimension_semantics = [#tpu.dimension_semantics<core_parallel>, #tpu.dimension_semantics<subcore_parallel>], iteration_bounds = array<i64: 2, 16>, scalar_prefetch = 0 : i64, scratch_operands = 3 : i64, tpu.core_type = #tpu.core_type<sc_vector_subcore>, window_params = [{transform_indices = #map}, {transform_indices = #map}, {transform_indices = #map}, {transform_indices = #map}, {transform_indices = #map}]} {
    %mul3A = arith.constant 2 : i32
    %mul3A_0 = arith.muli %arg1, %mul3A : i32
    %add3A = arith.addi %mul3A_0, %arg0 : i32
    %mul3A_1 = arith.constant 200 : i32
    %mul3A_2 = arith.muli %add3A, %mul3A_1 : i32
    %mul3A_3 = arith.constant 2000 : i32
    %mul3A_4 = arith.muli %add3A, %mul3A_3 : i32
    %mul3A_5 = arith.constant 8000 : i32
    %mul3A_6 = arith.muli %add3A, %mul3A_5 : i32
    %mul3A_7 = arith.constant 200 : i32
    %mul3A_8 = arith.muli %add3A, %mul3A_7 : i32
    %mul3A_9 = arith.constant 200 : i32
    %mul3A_10 = arith.muli %add3A, %mul3A_9 : i32
    %add3A_11 = arith.constant 0 : i32
    %add3A_12 = arith.addi %add3A_11, %mul3A_10 : i32
    %mul3A_13 = arith.constant 2000 : i32
    %mul3A_14 = arith.muli %add3A, %mul3A_13 : i32
    %add3A_15 = arith.constant 6400 : i32
    %add3A_16 = arith.addi %add3A_15, %mul3A_14 : i32
    %mul3A_17 = arith.constant 8000 : i32
    %mul3A_18 = arith.muli %add3A, %mul3A_17 : i32
    %add3A_19 = arith.constant 70400 : i32
    %add3A_20 = arith.addi %add3A_19, %mul3A_18 : i32
    %mul3A_21 = arith.constant 200 : i32
    %mul3A_22 = arith.muli %add3A, %mul3A_21 : i32
    %add3A_23 = arith.constant 326400 : i32
    %add3A_24 = arith.addi %add3A_23, %mul3A_22 : i32
    %dma_start3A = arith.constant 0 : i32
    %dma_start3A_25 = tpu.memref_slice %arg7[%dma_start3A] : memref<10400xf32, #tpu.memory_space<vmem>> -> memref<200xf32, #tpu.memory_space<vmem>>
    %dma_start3A_26 = tpu.memref_slice %arg2[%mul3A_2] : memref<6400xf32, #tpu.memory_space<hbm>> -> memref<200xf32, #tpu.memory_space<hbm>>
    %dma_start3A_27 = arith.constant 0 : i32
    %dma_start3A_28 = tpu.memref_slice %arg7[%dma_start3A_27] : memref<10400xf32, #tpu.memory_space<vmem>> -> memref<200xf32, #tpu.memory_space<vmem>>
    %dma_start3A_29 = tpu.memref_slice %arg2[%mul3A_2] : memref<6400xf32, #tpu.memory_space<hbm>> -> memref<200xf32, #tpu.memory_space<hbm>>
    tpu.enqueue_dma source(%dma_start3A_29 : memref<200xf32, #tpu.memory_space<hbm>>) target(%dma_start3A_28 : memref<200xf32, #tpu.memory_space<vmem>>) target_semaphore(%arg8 : memref<!tpu.dma_semaphore, #tpu.memory_space<semaphore_mem>>)
    %dma_start3A_30 = arith.constant 200 : i32
    %dma_start3A_31 = tpu.memref_slice %arg7[%dma_start3A_30] : memref<10400xf32, #tpu.memory_space<vmem>> -> memref<2000xf32, #tpu.memory_space<vmem>>
    %dma_start3A_32 = tpu.memref_slice %arg3[%mul3A_4] : memref<64000xf32, #tpu.memory_space<hbm>> -> memref<2000xf32, #tpu.memory_space<hbm>>
    %dma_start3A_33 = arith.constant 200 : i32
    %dma_start3A_34 = tpu.memref_slice %arg7[%dma_start3A_33] : memref<10400xf32, #tpu.memory_space<vmem>> -> memref<2000xf32, #tpu.memory_space<vmem>>
    %dma_start3A_35 = tpu.memref_slice %arg3[%mul3A_4] : memref<64000xf32, #tpu.memory_space<hbm>> -> memref<2000xf32, #tpu.memory_space<hbm>>
    tpu.enqueue_dma source(%dma_start3A_35 : memref<2000xf32, #tpu.memory_space<hbm>>) target(%dma_start3A_34 : memref<2000xf32, #tpu.memory_space<vmem>>) target_semaphore(%arg8 : memref<!tpu.dma_semaphore, #tpu.memory_space<semaphore_mem>>)
    %dma_start3A_36 = arith.constant 2200 : i32
    %dma_start3A_37 = tpu.memref_slice %arg7[%dma_start3A_36] : memref<10400xf32, #tpu.memory_space<vmem>> -> memref<8000xf32, #tpu.memory_space<vmem>>
    %dma_start3A_38 = tpu.memref_slice %arg4[%mul3A_6] : memref<256000xf32, #tpu.memory_space<hbm>> -> memref<8000xf32, #tpu.memory_space<hbm>>
    %dma_start3A_39 = arith.constant 2200 : i32
    %dma_start3A_40 = tpu.memref_slice %arg7[%dma_start3A_39] : memref<10400xf32, #tpu.memory_space<vmem>> -> memref<8000xf32, #tpu.memory_space<vmem>>
    %dma_start3A_41 = tpu.memref_slice %arg4[%mul3A_6] : memref<256000xf32, #tpu.memory_space<hbm>> -> memref<8000xf32, #tpu.memory_space<hbm>>
    tpu.enqueue_dma source(%dma_start3A_41 : memref<8000xf32, #tpu.memory_space<hbm>>) target(%dma_start3A_40 : memref<8000xf32, #tpu.memory_space<vmem>>) target_semaphore(%arg8 : memref<!tpu.dma_semaphore, #tpu.memory_space<semaphore_mem>>)
    %dma_start3A_42 = arith.constant 10200 : i32
    %dma_start3A_43 = tpu.memref_slice %arg7[%dma_start3A_42] : memref<10400xf32, #tpu.memory_space<vmem>> -> memref<200xf32, #tpu.memory_space<vmem>>
    %dma_start3A_44 = tpu.memref_slice %arg5[%mul3A_8] : memref<6400xf32, #tpu.memory_space<hbm>> -> memref<200xf32, #tpu.memory_space<hbm>>
    %dma_start3A_45 = arith.constant 10200 : i32
    %dma_start3A_46 = tpu.memref_slice %arg7[%dma_start3A_45] : memref<10400xf32, #tpu.memory_space<vmem>> -> memref<200xf32, #tpu.memory_space<vmem>>
    %dma_start3A_47 = tpu.memref_slice %arg5[%mul3A_8] : memref<6400xf32, #tpu.memory_space<hbm>> -> memref<200xf32, #tpu.memory_space<hbm>>
    tpu.enqueue_dma source(%dma_start3A_47 : memref<200xf32, #tpu.memory_space<hbm>>) target(%dma_start3A_46 : memref<200xf32, #tpu.memory_space<vmem>>) target_semaphore(%arg8 : memref<!tpu.dma_semaphore, #tpu.memory_space<semaphore_mem>>)
    %dma_wait3A = arith.constant 0 : i32
    %dma_wait3A_48 = tpu.memref_slice %arg7[%dma_wait3A] : memref<10400xf32, #tpu.memory_space<vmem>> -> memref<200xf32, #tpu.memory_space<vmem>>
    %dma_wait3A_49 = tpu.memref_slice %arg2[%mul3A_2] : memref<6400xf32, #tpu.memory_space<hbm>> -> memref<200xf32, #tpu.memory_space<hbm>>
    %dma_wait3A_50 = arith.constant 0 : i32
    %dma_wait3A_51 = tpu.memref_slice %arg7[%dma_wait3A_50] : memref<10400xf32, #tpu.memory_space<vmem>> -> memref<200xf32, #tpu.memory_space<vmem>>
    %dma_wait3A_52 = tpu.memref_slice %arg2[%mul3A_2] : memref<6400xf32, #tpu.memory_space<hbm>> -> memref<200xf32, #tpu.memory_space<hbm>>
    tpu.wait_dma2 semaphore(%arg8 : memref<!tpu.dma_semaphore, #tpu.memory_space<semaphore_mem>>) src(%dma_wait3A_52 : memref<200xf32, #tpu.memory_space<hbm>>) dst(%dma_wait3A_51 : memref<200xf32, #tpu.memory_space<vmem>>)
    %dma_wait3A_53 = arith.constant 200 : i32
    %dma_wait3A_54 = tpu.memref_slice %arg7[%dma_wait3A_53] : memref<10400xf32, #tpu.memory_space<vmem>> -> memref<2000xf32, #tpu.memory_space<vmem>>
    %dma_wait3A_55 = tpu.memref_slice %arg3[%mul3A_4] : memref<64000xf32, #tpu.memory_space<hbm>> -> memref<2000xf32, #tpu.memory_space<hbm>>
    %dma_wait3A_56 = arith.constant 200 : i32
    %dma_wait3A_57 = tpu.memref_slice %arg7[%dma_wait3A_56] : memref<10400xf32, #tpu.memory_space<vmem>> -> memref<2000xf32, #tpu.memory_space<vmem>>
    %dma_wait3A_58 = tpu.memref_slice %arg3[%mul3A_4] : memref<64000xf32, #tpu.memory_space<hbm>> -> memref<2000xf32, #tpu.memory_space<hbm>>
    tpu.wait_dma2 semaphore(%arg8 : memref<!tpu.dma_semaphore, #tpu.memory_space<semaphore_mem>>) src(%dma_wait3A_58 : memref<2000xf32, #tpu.memory_space<hbm>>) dst(%dma_wait3A_57 : memref<2000xf32, #tpu.memory_space<vmem>>)
    %dma_wait3A_59 = arith.constant 2200 : i32
    %dma_wait3A_60 = tpu.memref_slice %arg7[%dma_wait3A_59] : memref<10400xf32, #tpu.memory_space<vmem>> -> memref<8000xf32, #tpu.memory_space<vmem>>
    %dma_wait3A_61 = tpu.memref_slice %arg4[%mul3A_6] : memref<256000xf32, #tpu.memory_space<hbm>> -> memref<8000xf32, #tpu.memory_space<hbm>>
    %dma_wait3A_62 = arith.constant 2200 : i32
    %dma_wait3A_63 = tpu.memref_slice %arg7[%dma_wait3A_62] : memref<10400xf32, #tpu.memory_space<vmem>> -> memref<8000xf32, #tpu.memory_space<vmem>>
    %dma_wait3A_64 = tpu.memref_slice %arg4[%mul3A_6] : memref<256000xf32, #tpu.memory_space<hbm>> -> memref<8000xf32, #tpu.memory_space<hbm>>
    tpu.wait_dma2 semaphore(%arg8 : memref<!tpu.dma_semaphore, #tpu.memory_space<semaphore_mem>>) src(%dma_wait3A_64 : memref<8000xf32, #tpu.memory_space<hbm>>) dst(%dma_wait3A_63 : memref<8000xf32, #tpu.memory_space<vmem>>)
    %dma_wait3A_65 = arith.constant 10200 : i32
    %dma_wait3A_66 = tpu.memref_slice %arg7[%dma_wait3A_65] : memref<10400xf32, #tpu.memory_space<vmem>> -> memref<200xf32, #tpu.memory_space<vmem>>
    %dma_wait3A_67 = tpu.memref_slice %arg5[%mul3A_8] : memref<6400xf32, #tpu.memory_space<hbm>> -> memref<200xf32, #tpu.memory_space<hbm>>
    %dma_wait3A_68 = arith.constant 10200 : i32
    %dma_wait3A_69 = tpu.memref_slice %arg7[%dma_wait3A_68] : memref<10400xf32, #tpu.memory_space<vmem>> -> memref<200xf32, #tpu.memory_space<vmem>>
    %dma_wait3A_70 = tpu.memref_slice %arg5[%mul3A_8] : memref<6400xf32, #tpu.memory_space<hbm>> -> memref<200xf32, #tpu.memory_space<hbm>>
    tpu.wait_dma2 semaphore(%arg8 : memref<!tpu.dma_semaphore, #tpu.memory_space<semaphore_mem>>) src(%dma_wait3A_70 : memref<200xf32, #tpu.memory_space<hbm>>) dst(%dma_wait3A_69 : memref<200xf32, #tpu.memory_space<vmem>>)
    %dma_start3A_71 = arith.constant 0 : i32
    %dma_start3A_72 = tpu.memref_slice %arg7[%dma_start3A_71] : memref<10400xf32, #tpu.memory_space<vmem>> -> memref<200xf32, #tpu.memory_space<vmem>>
    %dma_start3A_73 = tpu.memref_slice %arg6[%add3A_12] : memref<332800xf32, #tpu.memory_space<hbm>> -> memref<200xf32, #tpu.memory_space<hbm>>
    %dma_start3A_74 = tpu.memref_slice %arg6[%add3A_12] : memref<332800xf32, #tpu.memory_space<hbm>> -> memref<200xf32, #tpu.memory_space<hbm>>
    %dma_start3A_75 = arith.constant 0 : i32
    %dma_start3A_76 = tpu.memref_slice %arg7[%dma_start3A_75] : memref<10400xf32, #tpu.memory_space<vmem>> -> memref<200xf32, #tpu.memory_space<vmem>>
    tpu.enqueue_dma source(%dma_start3A_76 : memref<200xf32, #tpu.memory_space<vmem>>) target(%dma_start3A_74 : memref<200xf32, #tpu.memory_space<hbm>>) target_semaphore(%arg9 : memref<!tpu.dma_semaphore, #tpu.memory_space<semaphore_mem>>)
    %dma_start3A_77 = arith.constant 200 : i32
    %dma_start3A_78 = tpu.memref_slice %arg7[%dma_start3A_77] : memref<10400xf32, #tpu.memory_space<vmem>> -> memref<2000xf32, #tpu.memory_space<vmem>>
    %dma_start3A_79 = tpu.memref_slice %arg6[%add3A_16] : memref<332800xf32, #tpu.memory_space<hbm>> -> memref<2000xf32, #tpu.memory_space<hbm>>
    %dma_start3A_80 = tpu.memref_slice %arg6[%add3A_16] : memref<332800xf32, #tpu.memory_space<hbm>> -> memref<2000xf32, #tpu.memory_space<hbm>>
    %dma_start3A_81 = arith.constant 200 : i32
    %dma_start3A_82 = tpu.memref_slice %arg7[%dma_start3A_81] : memref<10400xf32, #tpu.memory_space<vmem>> -> memref<2000xf32, #tpu.memory_space<vmem>>
    tpu.enqueue_dma source(%dma_start3A_82 : memref<2000xf32, #tpu.memory_space<vmem>>) target(%dma_start3A_80 : memref<2000xf32, #tpu.memory_space<hbm>>) target_semaphore(%arg9 : memref<!tpu.dma_semaphore, #tpu.memory_space<semaphore_mem>>)
    %dma_start3A_83 = arith.constant 2200 : i32
    %dma_start3A_84 = tpu.memref_slice %arg7[%dma_start3A_83] : memref<10400xf32, #tpu.memory_space<vmem>> -> memref<8000xf32, #tpu.memory_space<vmem>>
    %dma_start3A_85 = tpu.memref_slice %arg6[%add3A_20] : memref<332800xf32, #tpu.memory_space<hbm>> -> memref<8000xf32, #tpu.memory_space<hbm>>
    %dma_start3A_86 = tpu.memref_slice %arg6[%add3A_20] : memref<332800xf32, #tpu.memory_space<hbm>> -> memref<8000xf32, #tpu.memory_space<hbm>>
    %dma_start3A_87 = arith.constant 2200 : i32
    %dma_start3A_88 = tpu.memref_slice %arg7[%dma_start3A_87] : memref<10400xf32, #tpu.memory_space<vmem>> -> memref<8000xf32, #tpu.memory_space<vmem>>
    tpu.enqueue_dma source(%dma_start3A_88 : memref<8000xf32, #tpu.memory_space<vmem>>) target(%dma_start3A_86 : memref<8000xf32, #tpu.memory_space<hbm>>) target_semaphore(%arg9 : memref<!tpu.dma_semaphore, #tpu.memory_space<semaphore_mem>>)
    %dma_start3A_89 = arith.constant 10200 : i32
    %dma_start3A_90 = tpu.memref_slice %arg7[%dma_start3A_89] : memref<10400xf32, #tpu.memory_space<vmem>> -> memref<200xf32, #tpu.memory_space<vmem>>
    %dma_start3A_91 = tpu.memref_slice %arg6[%add3A_24] : memref<332800xf32, #tpu.memory_space<hbm>> -> memref<200xf32, #tpu.memory_space<hbm>>
    %dma_start3A_92 = tpu.memref_slice %arg6[%add3A_24] : memref<332800xf32, #tpu.memory_space<hbm>> -> memref<200xf32, #tpu.memory_space<hbm>>
    %dma_start3A_93 = arith.constant 10200 : i32
    %dma_start3A_94 = tpu.memref_slice %arg7[%dma_start3A_93] : memref<10400xf32, #tpu.memory_space<vmem>> -> memref<200xf32, #tpu.memory_space<vmem>>
    tpu.enqueue_dma source(%dma_start3A_94 : memref<200xf32, #tpu.memory_space<vmem>>) target(%dma_start3A_92 : memref<200xf32, #tpu.memory_space<hbm>>) target_semaphore(%arg9 : memref<!tpu.dma_semaphore, #tpu.memory_space<semaphore_mem>>)
    %dma_wait3A_95 = arith.constant 0 : i32
    %dma_wait3A_96 = tpu.memref_slice %arg7[%dma_wait3A_95] : memref<10400xf32, #tpu.memory_space<vmem>> -> memref<200xf32, #tpu.memory_space<vmem>>
    %dma_wait3A_97 = tpu.memref_slice %arg6[%add3A_12] : memref<332800xf32, #tpu.memory_space<hbm>> -> memref<200xf32, #tpu.memory_space<hbm>>
    %dma_wait3A_98 = tpu.memref_slice %arg6[%add3A_12] : memref<332800xf32, #tpu.memory_space<hbm>> -> memref<200xf32, #tpu.memory_space<hbm>>
    %dma_wait3A_99 = arith.constant 0 : i32
    %dma_wait3A_100 = tpu.memref_slice %arg7[%dma_wait3A_99] : memref<10400xf32, #tpu.memory_space<vmem>> -> memref<200xf32, #tpu.memory_space<vmem>>
    tpu.wait_dma2 semaphore(%arg9 : memref<!tpu.dma_semaphore, #tpu.memory_space<semaphore_mem>>) src(%dma_wait3A_100 : memref<200xf32, #tpu.memory_space<vmem>>) dst(%dma_wait3A_98 : memref<200xf32, #tpu.memory_space<hbm>>)
    %dma_wait3A_101 = arith.constant 200 : i32
    %dma_wait3A_102 = tpu.memref_slice %arg7[%dma_wait3A_101] : memref<10400xf32, #tpu.memory_space<vmem>> -> memref<2000xf32, #tpu.memory_space<vmem>>
    %dma_wait3A_103 = tpu.memref_slice %arg6[%add3A_16] : memref<332800xf32, #tpu.memory_space<hbm>> -> memref<2000xf32, #tpu.memory_space<hbm>>
    %dma_wait3A_104 = tpu.memref_slice %arg6[%add3A_16] : memref<332800xf32, #tpu.memory_space<hbm>> -> memref<2000xf32, #tpu.memory_space<hbm>>
    %dma_wait3A_105 = arith.constant 200 : i32
    %dma_wait3A_106 = tpu.memref_slice %arg7[%dma_wait3A_105] : memref<10400xf32, #tpu.memory_space<vmem>> -> memref<2000xf32, #tpu.memory_space<vmem>>
    tpu.wait_dma2 semaphore(%arg9 : memref<!tpu.dma_semaphore, #tpu.memory_space<semaphore_mem>>) src(%dma_wait3A_106 : memref<2000xf32, #tpu.memory_space<vmem>>) dst(%dma_wait3A_104 : memref<2000xf32, #tpu.memory_space<hbm>>)
    %dma_wait3A_107 = arith.constant 2200 : i32
    %dma_wait3A_108 = tpu.memref_slice %arg7[%dma_wait3A_107] : memref<10400xf32, #tpu.memory_space<vmem>> -> memref<8000xf32, #tpu.memory_space<vmem>>
    %dma_wait3A_109 = tpu.memref_slice %arg6[%add3A_20] : memref<332800xf32, #tpu.memory_space<hbm>> -> memref<8000xf32, #tpu.memory_space<hbm>>
    %dma_wait3A_110 = tpu.memref_slice %arg6[%add3A_20] : memref<332800xf32, #tpu.memory_space<hbm>> -> memref<8000xf32, #tpu.memory_space<hbm>>
    %dma_wait3A_111 = arith.constant 2200 : i32
    %dma_wait3A_112 = tpu.memref_slice %arg7[%dma_wait3A_111] : memref<10400xf32, #tpu.memory_space<vmem>> -> memref<8000xf32, #tpu.memory_space<vmem>>
    tpu.wait_dma2 semaphore(%arg9 : memref<!tpu.dma_semaphore, #tpu.memory_space<semaphore_mem>>) src(%dma_wait3A_112 : memref<8000xf32, #tpu.memory_space<vmem>>) dst(%dma_wait3A_110 : memref<8000xf32, #tpu.memory_space<hbm>>)
    %dma_wait3A_113 = arith.constant 10200 : i32
    %dma_wait3A_114 = tpu.memref_slice %arg7[%dma_wait3A_113] : memref<10400xf32, #tpu.memory_space<vmem>> -> memref<200xf32, #tpu.memory_space<vmem>>
    %dma_wait3A_115 = tpu.memref_slice %arg6[%add3A_24] : memref<332800xf32, #tpu.memory_space<hbm>> -> memref<200xf32, #tpu.memory_space<hbm>>
    %dma_wait3A_116 = tpu.memref_slice %arg6[%add3A_24] : memref<332800xf32, #tpu.memory_space<hbm>> -> memref<200xf32, #tpu.memory_space<hbm>>
    %dma_wait3A_117 = arith.constant 10200 : i32
    %dma_wait3A_118 = tpu.memref_slice %arg7[%dma_wait3A_117] : memref<10400xf32, #tpu.memory_space<vmem>> -> memref<200xf32, #tpu.memory_space<vmem>>
    tpu.wait_dma2 semaphore(%arg9 : memref<!tpu.dma_semaphore, #tpu.memory_space<semaphore_mem>>) src(%dma_wait3A_118 : memref<200xf32, #tpu.memory_space<vmem>>) dst(%dma_wait3A_116 : memref<200xf32, #tpu.memory_space<hbm>>)
    return
  }
}

</mosaic_0001>

<sc_bundles>
// kernel: kernel.3.cloned.1.call-start
scs
__scs_entry_jumppad:
0x0: {  	(pc) =	sbr.rel $0x88, $3  }
0x1: {  	(tag) =	ssettag $0x0;
	lr =	simm.s32 $0x1  }
0x2: {  	[smem:$0x3F9D] =	sst lr;
	_ =	strace $0xD0000000  }
0x3: {  	_ = 	snop  }
0x4: {  	_ = 	snop  }
0x5: {  	_ = 	snop  }
0x6: {  	_ = 	snop  }
0x7: {  	_ = 	snop  }
__scs_overlays_trampoline_lowered:
0x8: {  	[smem:$0x3FAC] =	sst s0  }
0x9: {  	[smem:$0x3FAD] =	sst s1  }
0xa: {  	[smem:$0x3FAE] =	sst s2  }
0xb: {  	[smem:$0x3FAF] =	sst s3  }
0xc: {  	[smem:$0x3FB0] =	sst s4  }
0xd: {  	[smem:$0x3FB1] =	sst s5  }
0xe: {  	[smem:$0x3FB2] =	sst s6  }
0xf: {  	[smem:$0x3FB3] =	sst s7  }
0x10: {  	[smem:$0x3FB4] =	sst s8  }
0x11: {  	[smem:$0x3FB5] =	sst s9;
	s0 =	simm.s32 @!p0 $0x0  }
0x12: {  	s1 =	sld [smem:$0x3F9B];
	s0 =	simm.s32 @p0 $0x1  }
0x13: {  	[smem:$0x3FB6] =	sst s0;
	s0 =	simm.s32 @!p1 $0x0  }
0x14: {  	s2 =	sld [smem:$0x3F9A];
	s0 =	simm.s32 @p1 $0x1  }
0x15: {  	[smem:$0x3FB7] =	sst s0;
	s0 =	simm.s32 @!p2 $0x0  }
0x16: {  	s3 =	sld [smem:$0x3FDB];
	s0 =	simm.s32 @p2 $0x1  }
0x17: {  	s4 =	simm.s32 $0x1BF5;
	[smem:$0x3FB9] =	sst s0  }
0x18: {  	s0 =	sld [smem:$0x3F9C];
	_ =	swait.ge [sflag:s4], $0x0  }
0x19: {  	s7 =	sld [smem:$0x3F9D]  }
0x1a: {  	s8 =	sadd.s32 $0xFFFFE003, lr  }
0x1b: {  	s9 =	sadd.s32 $0xFFFFFEF7, lr;
	s5 =	simm.s32 $0xFFFFFFFF;
	p2 =	slt.u32 s8, $0xFFFFF086  }
0x1c: {  	p1 =	slt.u32 s9, $0xF7A;
	s5 =	simm.s32 @!p2 $0x0  }
0x1d: {  	s5 =	simm.s32 @p1 $0x1;
	p0 =	seq.s32 s7, s2  }
0x1e: {  	s7 =	smul.u32 @!p0 $0xF7A, s2;
	p2 =	seq.s32 @!p0 s5, $0x0  }
0x1f: {  	s9 =	smul.u32 $0xF7A, s1;
	s8 =	simm.s32 @!p0 $0x1BF5;
	p2 =	por !p2, p0  }
0x20: {  	[sflag:s8] =	ssyncset.s32 @!p0 $0xFFFFF086;
	s6 =	sadd.s32 @!p0 s3, s7;
	s7 =	simm.s32 @!p0 $0x108  }
0x21: {  	s3 =	sadd.s32 s3, s9;
	s6 =	sadd.s32 @!p0 $0x88, s6;
	s7 =	simm.s32 @p2 $0x1082  }
0x22: {  	[simem:s7], [sflag:s8] =	dma.local @!p0 [hbm:s6], $0xF7A  }
0x23: {  	s9 =	sor.u32 $0xD0000000, s2;
	s6 =	simm.s32 $0x108;
	_ =	swait.ge @!p0 [sflag:s8], $0x0  }
0x24: {  	s3 =	sadd.s32 $0x88, s3;
	s6 =	simm.s32 @!p1 $0x1082;
	[sflag:s4] =	ssyncset.s32 $0xFFFFF086  }
0x25: {  	[simem:s6], [sflag:s4] =	dma.local [hbm:s3], $0xF7A  }
0x26: {  	[smem:$0x3F9D] =	sst s1;
	(tag) =	ssettag s2;
	_ =	strace s9  }
0x27: {  	s1 =	sld [smem:$0x3FAD]  }
0x28: {  	s2 =	sld [smem:$0x3FAE]  }
0x29: {  	s4 =	sld [smem:$0x3FB0]  }
0x2a: {  	p0 =	seq.s32 s5, $0x0;
	s5 =	sld [smem:$0x3FB1]  }
0x2b: {  	s6 =	sld [smem:$0x3FB2]  }
0x2c: {  	s7 =	sld [smem:$0x3FB3]  }
0x2d: {  	s3 =	simm.s32 $0x108;
	s8 =	sld [smem:$0x3FB4]  }
0x2e: {  	s3 =	simm.s32 @!p0 $0x1082;
	s9 =	sld [smem:$0x3FB5]  }
0x2f: {  	lr =	sadd.s32 s0, s3;
	s0 =	sld [smem:$0x3FAC]  }
0x30: {  	s3 =	sld [smem:$0x3FAF]  }
0x31: {  	[smem:$0x3FB8] =	sst s10  }
0x32: {  	s10 =	sld [smem:$0x3FB6];
	_ =	sdelay $0x3  }
0x33: {  	p0 =	seq.s32 s10, $0x1;
	s10 =	sld [smem:$0x3FB8];
	_ =	sdelay $0x3  }
0x34: {  	[smem:$0x3FB8] =	sst s10  }
0x35: {  	s10 =	sld [smem:$0x3FB7];
	_ =	sdelay $0x3  }
0x36: {  	p1 =	seq.s32 s10, $0x1;
	s10 =	sld [smem:$0x3FB8];
	_ =	sdelay $0x3  }
0x37: {  	[smem:$0x3FB8] =	sst s10  }
0x38: {  	s10 =	sld [smem:$0x3FB9]  }
0x39: {  	_ = 	snop;
	(pc) =	sbr.ind lr, $3  }
0x3a: {  	_ = 	snop  }
0x3b: {  	_ = 	snop  }
0x3c: {  	p2 =	seq.s32 s10, $0x1;
	s10 =	sld [smem:$0x3FB8]  }
0x3d: {  	_ =	shalt  }
0x3e: {  	_ =	shalt  }
0x3f: {  	_ =	shalt  }
0x40: {  	_ =	shalt  }
0x41: {  	_ =	shalt  }
0x42: {  	_ =	shalt  }
0x43: {  	_ =	shalt  }
0x44: {  	_ =	shalt  }
0x45: {  	_ =	shalt  }
0x46: {  	_ =	shalt  }
0x47: {  	_ =	shalt  }
0x48: {  	_ =	shalt  }
0x49: {  	_ =	shalt  }
0x4a: {  	_ =	shalt  }
0x4b: {  	_ =	shalt  }
0x4c: {  	_ =	shalt  }
0x4d: {  	_ =	shalt  }
0x4e: {  	_ =	shalt  }
0x4f: {  	_ =	shalt  }
0x50: {  	_ =	shalt  }
0x51: {  	_ =	shalt  }
0x52: {  	_ =	shalt  }
0x53: {  	_ =	shalt  }
0x54: {  	_ =	shalt  }
0x55: {  	_ =	shalt  }
0x56: {  	_ =	shalt  }
0x57: {  	_ =	shalt  }
0x58: {  	_ =	shalt  }
0x59: {  	_ =	shalt  }
0x5a: {  	_ =	shalt  }
0x5b: {  	_ =	shalt  }
0x5c: {  	_ =	shalt  }
0x5d: {  	_ =	shalt  }
0x5e: {  	_ =	shalt  }
0x5f: {  	_ =	shalt  }
0x60: {  	_ =	shalt  }
0x61: {  	_ =	shalt  }
0x62: {  	_ =	shalt  }
0x63: {  	_ =	shalt  }
0x64: {  	_ =	shalt  }
0x65: {  	_ =	shalt  }
0x66: {  	_ =	shalt  }
0x67: {  	_ =	shalt  }
0x68: {  	_ =	shalt  }
0x69: {  	_ =	shalt  }
0x6a: {  	_ =	shalt  }
0x6b: {  	_ =	shalt  }
0x6c: {  	_ =	shalt  }
0x6d: {  	_ =	shalt  }
0x6e: {  	_ =	shalt  }
0x6f: {  	_ =	shalt  }
0x70: {  	_ =	shalt  }
0x71: {  	_ =	shalt  }
0x72: {  	_ =	shalt  }
0x73: {  	_ =	shalt  }
0x74: {  	_ =	shalt  }
0x75: {  	_ =	shalt  }
0x76: {  	_ =	shalt  }
0x77: {  	_ =	shalt  }
0x78: {  	_ =	shalt  }
0x79: {  	_ =	shalt  }
0x7a: {  	_ =	shalt  }
0x7b: {  	_ =	shalt  }
0x7c: {  	_ =	shalt  }
0x7d: {  	_ =	shalt  }
0x7e: {  	_ =	shalt  }
0x7f: {  	_ =	shalt  }
0x80: {  	_ =	shalt  }
0x81: {  	_ =	shalt  }
0x82: {  	_ =	shalt  }
0x83: {  	_ =	shalt  }
0x84: {  	_ =	shalt  }
0x85: {  	_ =	shalt  }
0x86: {  	_ =	shalt  }
0x87: {  	_ =	shalt  }
.Lfunc_end0:
.L_simem_size_0:
called_computation_lowered:
.L_overlay_start_0:
0x88: {  	s2 =	sld [smem:$0x3FD9]  }
0x89: {  	s3 =	sld [smem:$0x3FFE];
	_ =	sdelay $0x1  }
0x8a: {  	s1 =	srdreg.scid  }
0x8b: {  	s0 =	sand.u32 $0x1, s1  }
0x8c: {  	s17 =	sshll.u32 s0, $0xA;
	s2 =	sadd.s32 s3, s2  }
0x8d: {  	s2 =	sadd.s32 s2, s17  }
0x8e: {  	[smem:$0x3FC4] =	sst s2  }
0x8f: {  	_ = 	snop  }
0x90: {  	s2 =	sld [smem:$0x3FD0];
	(tm) =	ssettm $0x1  }
0x91: {  	s18 =	sld [smem:$0x3FFB];
	_ =	sdelay $0x3  }
0x92: {  	_ =	strace s18  }
0x93: {  	s3 =	sld [smem:$0x3FFC];
	_ =	sdelay $0x3  }
0x94: {  	_ =	strace s3  }
0x95: {  	s3 =	sld [smem:$0x3FFD];
	_ =	sdelay $0x3  }
0x96: {  	_ =	strace s3  }
0x97: {  	_ =	strace $0x8FFFFFFF  }
0x98: {  	s19 =	sld [smem:$0x3FDB];
	_ =	sdelay $0x1  }
0x99: {  	s4 =	simm.s32 $_scs_section_size  }
0x9a: {  	s5 =	simm.s32 $_size__tile_overlayer_lowered;
	s6 =	simm.s32 $_tile_overlayer_lowered  }
0x9b: {  	s22 =	simm.s32 $0x1BFF;
	s21 =	sshll.u32 s6, $0x1;
	s3 =	sadd.s32 s4, s19  }
0x9c: {  	s7 =	simm.s32 $0x0;
	s20 =	sshll.u32 s5, $0x1;
	s5 =	sadd.s32 s21, s3  }
0x9d: {  	[timem:s7], [sflag:s22] =	dma.local [hbm:s5], s20  }
0x9e: {  	_ =	swait.ge [sflag:s22], s20  }
0x9f: {  	s4 =	ssub.s32 $0x0, s20;
	[sflag:s22] =	ssyncset.done $0x0  }
0xa0: {  	[sflag:s22] =	ssyncadd.s32 s4;
	_ =	sdelay $0x1  }
0xa1: {  	s23 =	simm.s32 $0x1B8B  }
0xa2: {  	_ =	swait.ge [sflag:s23], $0x1  }
0xa3: {  	[sflag:s23] =	ssyncset.done $0x0  }
0xa4: {  	s25 =	simm.s32 $0x1B8E;
	s24 =	sld [smem:$0x3FFE];
	[sflag:s23] =	ssyncadd.s32 $0xFFFFFFFF  }
0xa5: {  	s26 =	simm.s32 $execute0_lowered;
	[smem:$0x3FD2] =	sst s25  }
0xa6: {  	s5 =	sshll.u32 s26, $0x1;
	_ =	strace $0x80000046;
	[dreg:$0x1] =	wrdreg $0xFFFFFFFF  }
0xa7: {  	s28 =	simm.s32 $_size_execute0_lowered;
	s3 =	sadd.s32 s3, s5;
	[dreg:$0x0] =	wrdreg $0x0  }
0xa8: {  	s5 =	sshll.u32 s28, $0x1;
	[dreg:$0x2] =	wrdreg s3  }
0xa9: {  	[dreg:$0x3] =	wrdreg s5  }
0xaa: {  	[dreg:$0x4] =	wrdreg $0xC0  }
0xab: {  	_ =	task [dreg:s7], $0x5FFFF  }
0xac: {  	[dreg:$0x1] =	wrdreg $0xFFFFFFFF  }
0xad: {  	[dreg:$0x0] =	wrdreg $0x60  }
0xae: {  	[dreg:$0x2] =	wrdreg s24  }
0xaf: {  	[dreg:$0x3] =	wrdreg s2  }
0xb0: {  	[dreg:$0x4] =	wrdreg $0x9  }
0xb1: {  	_ =	task.clear_ibuf [dreg:s7], $0x5FFFF;
	_ =	strace $0x90000046  }
0xb2: {  	s29 =	simm.s32 $0x9;
	_ =	strace $0x80000048  }
0xb3: {  	_ =	swait.ge [sflag:s29], $0x1  }
0xb4: {  	[sflag:s29] =	ssyncadd.s32 $0xFFFFFFFF  }
0xb5: {  	_ =	strace $0x90000048  }
0xb6: {  	_ =	sfence  }
0xb7: {  	s30 =	sld [smem:$0x0];
	_ =	sdelay $0x2  }
0xb8: {  	s31 =	sshll.u32 s1, $0xD;
	s1 =	sshrl.u32 s1, $0x2  }
0xb9: {  	s3 =	sand.u32 $0x4000, s31;
	s1 =	sadd.s32 s1, s30  }
0xba: {  	s0 =	sor.u32 s3, s0;
	s1 =	sshll.u32 s1, $0x11  }
0xbb: {  	s0 =	sor.u32 s1, s0  }
0xbc: {  	s0 =	sadd.s32 $0x8F2B, s0  }
0xbd: {  	[sflag:s0] =	ssyncadd.remote.s32 $0x1  }
0xbe: {  	_ =	sfence.sel $0xFFFF  }
0xbf: {  	[dreg:$0x0] =	wrdreg $0xFFFFFFFF;
	(pc) =	sbr.abs _section_cstart, $3  }
0xc0: {  	[dreg:$0x1] =	wrdreg $0xFFFFFFFF  }
0xc1: {  	_ =	task.clear_ibuf [dreg:s7], $0x2FFFF;
	_ =	strace $0x9FFFFFFF  }
0xc2: {  	(tm) =	ssettm $0x7FFFFFFF  }
0xc3: {  	_ =	shalt  }
tec
execute0_lowered:
.L_overlay_start_1:
0x0: {  	(tag) =	ssettag $0x1  }
0x1: {  	s1 =	srdreg.scid;
	s0 =	stileid.u32  }
0x2: {  	s16 =	sand.u32 $0x1, s1;
	s29 =	sshll.u32 s0, $0x1  }
0x3: {  	s4 =	rddreg [dreg:$0x0];
	s3 =	sor.u32 s16, s29  }
0x4: {  	s13 =	rddreg [dreg:$0x1];
	s5 =	smul.u32 $0xC8, s3  }
0x5: {  	s2 =	simm.s32 $0x0;
	s1 =	rddreg [dreg:$0x2];
	s6 =	smul.u32 $0x7D0, s3  }
0x6: {  	[smem:$0x7FF] =	sst s2;
	s3 =	smul.u32 $0x1F40, s3;
	s11 =	sshrl.u32 s5, $0x3  }
0x7: {  	_ =	strace $0x80000047;
	s12 =	sshrl.u32 s6, $0x3;
	s8 =	sadd.s32 s11, s4  }
0x8: {  	s14 =	sshrl.u32 s3, $0x3;
	s30 =	sadd.s32 s12, s4;
	s3 =	sadd.s32 $0x600, s8  }
0x9: {  	[tilespmem:s2], [sflag:$0x1] =	stream.linear.gather [hbm4b:s3+s2], $0xC8, $0x38;
	[tilespmem:$0x2900] =	vst v63  }
0xa: {  	s5 =	simm.s32 $0xC8;
	s31 =	sadd.s32 s14, s4;
	s4 =	sadd.s32 $0xE00, s30  }
0xb: {  	[tilespmem:s5], [sflag:$0x1] =	stream.linear.gather [hbm4b:s4+s2], $0x7D0, $0x38;
	[tilespmem:$0x2900] =	vst v63  }
0xc: {  	s7 =	simm.s32 $0x898;
	s6 =	sadd.s32 $0x2E00, s31  }
0xd: {  	[tilespmem:s7], [sflag:$0x1] =	stream.linear.gather [hbm4b:s6+s2], $0x1F40, $0x38;
	[tilespmem:$0x2900] =	vst v63  }
0xe: {  	s9 =	simm.s32 $0x27D8;
	s10 =	simm.s32 $0x1;
	s8 =	sadd.s32 $0xA00, s8  }
0xf: {  	[tilespmem:s9], [sflag:$0x1] =	stream.linear.gather [hbm4b:s8+s2], $0xC8, $0x38;
	[tilespmem:$0x2900] =	vst v63  }
0x10: {  	_ =	swait.ge [sflag:s10], $0xC8  }
0x11: {  	[sflag:s10] =	ssyncset.done $0x0  }
0x12: {  	[sflag:s10] =	ssyncadd.s32 $0xFFFFFF38  }
0x13: {  	_ =	swait.ge [sflag:s10], $0x7D0  }
0x14: {  	[sflag:s10] =	ssyncset.done $0x0  }
0x15: {  	[sflag:s10] =	ssyncadd.s32 $0xFFFFF830  }
0x16: {  	_ =	swait.ge [sflag:s10], $0x1F40  }
0x17: {  	[sflag:s10] =	ssyncset.done $0x0  }
0x18: {  	[sflag:s10] =	ssyncadd.s32 $0xFFFFE0C0  }
0x19: {  	_ =	swait.ge [sflag:s10], $0xC8  }
0x1a: {  	[sflag:s10] =	ssyncset.done $0x0  }
0x1b: {  	s11 =	sadd.s32 s13, s11;
	s12 =	sadd.s32 s13, s12;
	[sflag:s10] =	ssyncadd.s32 $0xFFFFFF38  }
0x1c: {  	[hbm4b:s11+s2] =	stream.linear.scatter [tilespmem:s2], [sflag:$0x2], $0xC8, $0x38;
	[tilespmem:$0x2900] =	vst v63  }
0x1d: {  	s13 =	sadd.s32 s13, s14;
	s12 =	sadd.s32 $0x320, s12  }
0x1e: {  	[hbm4b:s12+s2] =	stream.linear.scatter [tilespmem:s5], [sflag:$0x2], $0x7D0, $0x38;
	[tilespmem:$0x2900] =	vst v63  }
0x1f: {  	s13 =	sadd.s32 $0x2260, s13  }
0x20: {  	[hbm4b:s13+s2] =	stream.linear.scatter [tilespmem:s7], [sflag:$0x2], $0x1F40, $0x38;
	[tilespmem:$0x2900] =	vst v63  }
0x21: {  	s14 =	simm.s32 $0x2;
	s15 =	sadd.s32 $0x9F60, s11  }
0x22: {  	[hbm4b:s15+s2] =	stream.linear.scatter [tilespmem:s9], [sflag:$0x2], $0xC8, $0x38;
	[tilespmem:$0x2900] =	vst v63  }
0x23: {  	_ =	swait.ge [sflag:s14], $0xC8  }
0x24: {  	s16 =	ssub.s32 $0x2, s16;
	[sflag:s14] =	ssyncset.done $0x0  }
0x25: {  	s17 =	sshrl.u32 s16, $0x1;
	[sflag:s14] =	ssyncadd.s32 $0xFFFFFF38  }
0x26: {  	s16 =	ssub.s32 s16, s17;
	_ =	swait.ge [sflag:s14], $0x7D0  }
0x27: {  	s16 =	smax.u32 s16, $0x1;
	[sflag:s14] =	ssyncset.done $0x0  }
0x28: {  	p0 =	sne.s32 s16, $0x1;
	[sflag:s14] =	ssyncadd.s32 $0xFFFFF830  }
.Ltmp0:
0x29: {  	_ =	swait.ge [sflag:s14], $0x1F40;
	(pc) =	sbr.rel @!p0 .LBB2_2-.Ltmp0, $4  }
0x2a: {  	[sflag:s14] =	ssyncset.done $0x0  }
0x2b: {  	[sflag:s14] =	ssyncadd.s32 $0xFFFFE0C0  }
0x2c: {  	_ =	swait.ge [sflag:s14], $0xC8  }
0x2d: {  	s16 =	sadd.s32 $0xFFFFFFFF, s16;
	[sflag:s14] =	ssyncset.done $0x0  }
.LBB2_1:
0x2e: {  	p0 =	sne.s32 s16, $0x1;
	s16 =	sadd.s32 $0xFFFFFFFF, s16;
	[sflag:s14] =	ssyncadd.s32 $0xFFFFFF38  }
0x2f: {  	[tilespmem:s2], [sflag:$0x1] =	stream.linear.gather [hbm4b:s3+s2], $0xC8, $0x38;
	[tilespmem:$0x2900] =	vst v63  }
0x30: {  	_ = 	snop  }
0x31: {  	[tilespmem:s5], [sflag:$0x1] =	stream.linear.gather [hbm4b:s4+s2], $0x7D0, $0x38;
	[tilespmem:$0x2900] =	vst v63  }
0x32: {  	_ = 	snop  }
0x33: {  	[tilespmem:s7], [sflag:$0x1] =	stream.linear.gather [hbm4b:s6+s2], $0x1F40, $0x38;
	[tilespmem:$0x2900] =	vst v63  }
0x34: {  	_ = 	snop  }
0x35: {  	[tilespmem:s9], [sflag:$0x1] =	stream.linear.gather [hbm4b:s8+s2], $0xC8, $0x38;
	[tilespmem:$0x2900] =	vst v63  }
0x36: {  	_ =	swait.ge [sflag:s10], $0xC8  }
0x37: {  	[sflag:s10] =	ssyncset.done $0x0  }
0x38: {  	[sflag:s10] =	ssyncadd.s32 $0xFFFFFF38  }
0x39: {  	_ =	swait.ge [sflag:s10], $0x7D0  }
0x3a: {  	[sflag:s10] =	ssyncset.done $0x0  }
0x3b: {  	[sflag:s10] =	ssyncadd.s32 $0xFFFFF830  }
0x3c: {  	_ =	swait.ge [sflag:s10], $0x1F40  }
0x3d: {  	[sflag:s10] =	ssyncset.done $0x0  }
0x3e: {  	[sflag:s10] =	ssyncadd.s32 $0xFFFFE0C0  }
0x3f: {  	_ =	swait.ge [sflag:s10], $0xC8  }
0x40: {  	[sflag:s10] =	ssyncset.done $0x0  }
0x41: {  	[sflag:s10] =	ssyncadd.s32 $0xFFFFFF38  }
0x42: {  	[hbm4b:s11+s2] =	stream.linear.scatter [tilespmem:s2], [sflag:$0x2], $0xC8, $0x38;
	[tilespmem:$0x2900] =	vst v63  }
0x43: {  	_ = 	snop  }
0x44: {  	[hbm4b:s12+s2] =	stream.linear.scatter [tilespmem:s5], [sflag:$0x2], $0x7D0, $0x38;
	[tilespmem:$0x2900] =	vst v63  }
0x45: {  	_ = 	snop  }
0x46: {  	[hbm4b:s13+s2] =	stream.linear.scatter [tilespmem:s7], [sflag:$0x2], $0x1F40, $0x38;
	[tilespmem:$0x2900] =	vst v63  }
0x47: {  	_ = 	snop  }
0x48: {  	[hbm4b:s15+s2] =	stream.linear.scatter [tilespmem:s9], [sflag:$0x2], $0xC8, $0x38;
	[tilespmem:$0x2900] =	vst v63  }
0x49: {  	_ =	swait.ge [sflag:s14], $0xC8  }
0x4a: {  	[sflag:s14] =	ssyncset.done $0x0  }
0x4b: {  	[sflag:s14] =	ssyncadd.s32 $0xFFFFFF38  }
0x4c: {  	_ =	swait.ge [sflag:s14], $0x7D0  }
0x4d: {  	[sflag:s14] =	ssyncset.done $0x0  }
0x4e: {  	[sflag:s14] =	ssyncadd.s32 $0xFFFFF830  }
.Ltmp1:
0x4f: {  	_ =	swait.ge [sflag:s14], $0x1F40;
	(pc) =	sbr.rel @p0 .LBB2_1-.Ltmp1, $4  }
0x50: {  	[sflag:s14] =	ssyncset.done $0x0  }
0x51: {  	[sflag:s14] =	ssyncadd.s32 $0xFFFFE0C0  }
0x52: {  	_ =	swait.ge [sflag:s14], $0xC8  }
0x53: {  	[sflag:s14] =	ssyncset.done $0x0  }
.LBB2_2:
0x54: {  	[sflag:s14] =	ssyncadd.s32 $0xFFFFFF38  }
0x55: {  	_ =	sfence.sel $0x180000  }
0x56: {  	[bflag:$0x0] =	sbarrier.arrive $0xFFFF  }
0x57: {  	p0 =	sne.s32 s0, $0x0;
	_ =	strace $0x90000047  }
0x58: {  	s0 =	sadd.s32 @!p0 $0x100000, s1;
	[bflag:$0x2] =	sbarrier.arrive $0xFFFF  }
0x59: {  	[sflag:s0] =	ssyncadd.tile.s32 @!p0 $0x1;
	_ =	shalt  }
.Lfunc_end2:
_tile_overlayer_lowered:
.L_overlay_start_2:
0x5a: {  	(tag) =	ssettag $0x2  }
0x5b: {  	s0 =	rddreg [dreg:$0x0];
	s2 =	stileid.u32  }
0x5c: {  	s1 =	rddreg [dreg:$0x1];
	p0 =	sne.s32 s2, $0x0  }
0x5d: {  	s3 =	rddreg [dreg:$0x2];
	[bflag:$0x3] =	sbarrier.arrive $0xFFFF;
	s2 =	simm.s32 @!p0 $0x1C03  }
0x5e: {  	[timem:s3], [sflag:s2] =	dma.local @!p0 [hbm:s0], s1  }
0x5f: {  	s0 =	simm.s32 @!p0 $0x3  }
0x60: {  	_ =	swait.ge @!p0 [sflag:s0], s1  }
0x61: {  	s1 =	ssub.s32 @!p0 $0x0, s1;
	[sflag:s0] =	ssyncset.done @!p0 $0x0  }
0x62: {  	[sflag:s0] =	ssyncadd.s32 @!p0 s1  }
0x63: {  	[bflag:$0x3] =	sbarrier.arrive $0xFFFF  }
0x64: {  	_ =	shalt  }

</sc_bundles>
